<compile_context>
chip_gen: v7x
topology: tpu7x:2x2x1
jax: 0.10.2.dev20260603
libtpu: 0.0.44.dev20260713+nightly
codegen_flags: <defaults>
</compile_context>

<pallas_src>
import functools

import jax
import jax.numpy as jnp
from jax import lax
from jax.experimental import pallas as pl
from jax.experimental.pallas import tpu as pltpu
from jax.experimental.pallas import tpu_sc as plsc

BLK = 1024

_SC_WORKERS = 32


def _sc_override(cu_ref, out_ref, o_v, idx_v):
    slc = o_v.shape[0]
    wid = lax.axis_index("s") * 2 + lax.axis_index("c")
    base = wid * slc
    pltpu.sync_copy(cu_ref.at[pl.ds(0, 16)], idx_v)
    zeros16 = jnp.zeros((16,), jnp.float32)
    for i in range(slc // 16):
        o_v[pl.ds(i * 16, 16)] = zeros16
    idx = idx_v[...]
    in_range = jnp.logical_and(idx >= base, idx < base + slc)
    loc = jnp.where(in_range, idx - base, 0)
    plsc.store_scatter(o_v, [loc], jnp.full((16,), 1.0, jnp.float32),
                       mask=in_range)
    pltpu.sync_copy(o_v, out_ref.at[pl.ds(base, slc)])


def _build_override(cu_seqlens, T):
    mesh = plsc.VectorSubcoreMesh(core_axis_name="c", subcore_axis_name="s")
    fn = pl.kernel(
        _sc_override,
        out_type=jax.ShapeDtypeStruct((T,), jnp.float32),
        mesh=mesh,
        scratch_types=[
            pltpu.VMEM((T // _SC_WORKERS,), jnp.float32),
            pltpu.VMEM((16,), jnp.int32),
        ],
        compiler_params=pltpu.CompilerParams(needs_layout_passes=False),
    )
    return fn(cu_seqlens)


def _routing_block(scal_ref, hs_ref, wq_ref, wk_ref, ov_ref,
                   p_ref, carry_ref):
    b = pl.program_id(0)
    cur = hs_ref[...]

    dims = (((1,), (1,)), ((), ()))
    a = lax.dot_general(cur, wq_ref[...], dims,
                        preferred_element_type=jnp.float32)
    k = lax.dot_general(cur, wk_ref[...], dims,
                        preferred_element_type=jnp.float32)

    prev_last = carry_ref[7:8, :]
    carry_ref[...] = a[BLK - 8:, :]
    row_iota = lax.broadcasted_iota(jnp.int32, (BLK, 1), 0)
    q = jnp.where(row_iota == 0, prev_last, pltpu.roll(a, shift=1, axis=0))

    dot = jnp.sum(q * k, axis=1, keepdims=True)
    qn = jnp.maximum(jnp.sqrt(jnp.sum(q * q, axis=1, keepdims=True)), 1e-12)
    kn = jnp.maximum(jnp.sqrt(jnp.sum(k * k, axis=1, keepdims=True)), 1e-12)
    cos = dot / (qn * kn)

    temp = jnp.clip(jnp.abs(scal_ref[0]), 0.1, 2.0)
    logits = (1.0 - cos + scal_ref[1]) / temp
    p = jax.nn.sigmoid(logits)

    shp = (1, BLK // 128, 128)
    pw = jnp.reshape(p, shp)
    gid = (b * BLK
           + lax.broadcasted_iota(jnp.int32, shp, 1) * 128
           + lax.broadcasted_iota(jnp.int32, shp, 2))
    force = jnp.logical_or(gid == 0, ov_ref[...] > 0.0)
    p_ref[...] = jnp.where(force, 1.0, pw)


@functools.partial(jax.jit, static_argnames=())
def kernel(hidden_states, cu_seqlens, Wq, Wk, temperature, boundary_bias):
    T, D = hidden_states.shape
    grid = (T // BLK,)
    scal = jnp.stack([temperature.astype(jnp.float32),
                      boundary_bias.astype(jnp.float32)])
    override = _build_override(cu_seqlens, T).reshape(T // BLK,
                                                      BLK // 128, 128)
    p_wide = pl.pallas_call(
        _routing_block,
        grid=grid,
        in_specs=[
            pl.BlockSpec(memory_space=pltpu.SMEM),
            pl.BlockSpec((BLK, D), lambda i: (i, 0)),
            pl.BlockSpec((D, D), lambda i: (0, 0)),
            pl.BlockSpec((D, D), lambda i: (0, 0)),
            pl.BlockSpec((1, BLK // 128, 128),
                         lambda i: (i, 0, 0)),
        ],
        out_specs=pl.BlockSpec((1, BLK // 128, 128), lambda i: (i, 0, 0)),
        out_shape=jax.ShapeDtypeStruct((T // BLK, BLK // 128, 128),
                                       jnp.float32),
        scratch_shapes=[pltpu.VMEM((8, D), jnp.float32)],
        compiler_params=pltpu.CompilerParams(
            dimension_semantics=("arbitrary",),
        ),
    )(scal, hidden_states, Wq, Wk, override)
    p = p_wide.reshape(T)
    one_m = 1.0 - p
    bp = jnp.stack([one_m, p], axis=-1)
    mask = p > 0.5
    sp = jnp.where(mask, p, one_m).reshape(T, 1)
    return bp, mask, sp

# --- scband reference (transcript-rebuilt; emitter-appended) ---
"""Pipeline reference for scband-routing-module-16192026705994 (READ-ONLY COPY).

The authoritative reference and input builder live on the scoring server;
editing this copy changes nothing except your own understanding.
"""

import jax, jax.numpy as jnp
import numpy as np

T = 32768
D = 768
B = 16

def setup_inputs(seed: int = 0) -> dict:
    key = jax.random.key(seed)
    k1, k2, k3, k4 = jax.random.split(key, 4)
    hidden_states = jax.random.normal(k1, (T, D), dtype=jnp.float32)
    cu_seqlens = jnp.sort(jax.random.randint(k2, (B + 1,), 0, T)).astype(jnp.int32)
    Wq = (jax.random.normal(k3, (D, D), dtype=jnp.float32) * 0.02)
    Wk = (jax.random.normal(k4, (D, D), dtype=jnp.float32) * 0.02)
    temperature = jnp.array(0.5, dtype=jnp.float32)
    boundary_bias = jnp.array(1.0, dtype=jnp.float32)
    return {"hidden_states": hidden_states, "cu_seqlens": cu_seqlens, "Wq": Wq, "Wk": Wk, "temperature": temperature, "boundary_bias": boundary_bias}

def _normalize(x, eps=1e-12):
    n = jnp.linalg.norm(x, axis=-1, keepdims=True)
    return x / jnp.maximum(n, eps)

def reference(hidden_states, cu_seqlens, Wq, Wk, temperature, boundary_bias):
    # cu_seqlens path: hidden_states is flat [total_tokens, d_model]
    q = hidden_states[:-1] @ Wq.T
    k = hidden_states[1:] @ Wk.T
    cos_sim = jnp.sum(_normalize(q) * _normalize(k), axis=-1)
    temp = jnp.clip(jnp.abs(temperature), 0.1, 2.0)
    boundary_logits = (1.0 - cos_sim + boundary_bias) / temp
    p = jax.nn.sigmoid(boundary_logits)
    PAD_PROB = 1.0
    p = jnp.concatenate([jnp.full((1,), PAD_PROB, dtype=p.dtype), p], axis=0)
    # force a boundary at the start of every ragged sequence (scatter-overwrite)
    p = p.at[cu_seqlens[:-1]].set(PAD_PROB)
    boundary_prob = jnp.stack([1.0 - p, p], axis=-1)
    # eval mode: argmax instead of gumbel-softmax
    selected_idx = jnp.argmax(boundary_prob, axis=-1)
    boundary_mask = selected_idx == 1
    sel = boundary_mask.astype(jnp.int32)[:, None]
    selected_probs = jnp.take_along_axis(boundary_prob, sel, axis=-1)
    return (boundary_prob, boundary_mask, selected_probs)

if __name__ == "__main__":
    import jax
    _d = setup_inputs()
    print(jax.jit(kernel)(*tuple(_d.values())))

</pallas_src>

<mosaic_0001>
#map = affine_map<(d0, d1) -> (0)>
module attributes {stable_mosaic.version = 14 : i64} {
  func.func @_sc_override(%arg0: i32, %arg1: i32, %arg2: memref<17xi32, #tpu.memory_space<hbm>>, %arg3: memref<32768xf32, #tpu.memory_space<hbm>>, %arg4: memref<1024xf32, #tpu.memory_space<vmem>>, %arg5: memref<16xi32, #tpu.memory_space<vmem>>) attributes {dimension_semantics = [#tpu.dimension_semantics<core_parallel>, #tpu.dimension_semantics<subcore_parallel>], iteration_bounds = array<i64: 2, 16>, scalar_prefetch = 0 : i64, scratch_operands = 2 : i64, tpu.core_type = #tpu.core_type<sc_vector_subcore>, window_params = [{transform_indices = #map}, {transform_indices = #map}]} {
    %mul3A = arith.constant 2 : i32
    %mul3A_0 = arith.muli %arg1, %mul3A : i32
    %add3A = arith.addi %mul3A_0, %arg0 : i32
    %mul3A_1 = arith.constant 1024 : i32
    %mul3A_2 = arith.muli %add3A, %mul3A_1 : i32
    "tpu.region"() ({
      %run_scoped3A = tpu.sem_alloc : memref<!tpu.dma_semaphore, #tpu.memory_space<semaphore_mem>>
      %dma_start3A = arith.constant 0 : i32
      %dma_start3A_140 = tpu.memref_slice %arg2[%dma_start3A] : memref<17xi32, #tpu.memory_space<hbm>> -> memref<16xi32, #tpu.memory_space<hbm>>
      %dma_start3A_141 = arith.constant 0 : i32
      %dma_start3A_142 = tpu.memref_slice %arg2[%dma_start3A_141] : memref<17xi32, #tpu.memory_space<hbm>> -> memref<16xi32, #tpu.memory_space<hbm>>
      tpu.enqueue_dma source(%dma_start3A_142 : memref<16xi32, #tpu.memory_space<hbm>>) target(%arg5 : memref<16xi32, #tpu.memory_space<vmem>>) target_semaphore(%run_scoped3A : memref<!tpu.dma_semaphore, #tpu.memory_space<semaphore_mem>>)
      %dma_wait3A = arith.constant 0 : i32
      %dma_wait3A_143 = tpu.memref_slice %arg2[%dma_wait3A] : memref<17xi32, #tpu.memory_space<hbm>> -> memref<16xi32, #tpu.memory_space<hbm>>
      %dma_wait3A_144 = arith.constant 0 : i32
      %dma_wait3A_145 = tpu.memref_slice %arg2[%dma_wait3A_144] : memref<17xi32, #tpu.memory_space<hbm>> -> memref<16xi32, #tpu.memory_space<hbm>>
      tpu.wait_dma2 semaphore(%run_scoped3A : memref<!tpu.dma_semaphore, #tpu.memory_space<semaphore_mem>>) src(%dma_wait3A_145 : memref<16xi32, #tpu.memory_space<hbm>>) dst(%arg5 : memref<16xi32, #tpu.memory_space<vmem>>)
      tpu.yield
    }) : () -> ()
    %broadcast_in_dim3A = arith.constant 0.000000e+00 : f32
    %broadcast_in_dim3A_3 = vector.broadcast %broadcast_in_dim3A : f32 to vector<16xf32>
    %swap3A = arith.constant 0 : index
    %swap3A_4 = tpu.vector_load %arg4[%swap3A] {strides = array<i32>} : memref<1024xf32, #tpu.memory_space<vmem>>, vector<16xf32>,
    tpu.vector_store %arg4[%swap3A], %broadcast_in_dim3A_3 {strides = array<i32>} : memref<1024xf32, #tpu.memory_space<vmem>>, vector<16xf32>,
    %swap3A_5 = arith.constant 16 : index
    %swap3A_6 = tpu.vector_load %arg4[%swap3A_5] {strides = array<i32>} : memref<1024xf32, #tpu.memory_space<vmem>>, vector<16xf32>,
    tpu.vector_store %arg4[%swap3A_5], %broadcast_in_dim3A_3 {strides = array<i32>} : memref<1024xf32, #tpu.memory_space<vmem>>, vector<16xf32>,
    %swap3A_7 = arith.constant 32 : index
    %swap3A_8 = tpu.vector_load %arg4[%swap3A_7] {strides = array<i32>} : memref<1024xf32, #tpu.memory_space<vmem>>, vector<16xf32>,
    tpu.vector_store %arg4[%swap3A_7], %broadcast_in_dim3A_3 {strides = array<i32>} : memref<1024xf32, #tpu.memory_space<vmem>>, vector<16xf32>,
    %swap3A_9 = arith.constant 48 : index
    %swap3A_10 = tpu.vector_load %arg4[%swap3A_9] {strides = array<i32>} : memref<1024xf32, #tpu.memory_space<vmem>>, vector<16xf32>,
    tpu.vector_store %arg4[%swap3A_9], %broadcast_in_dim3A_3 {strides = array<i32>} : memref<1024xf32, #tpu.memory_space<vmem>>, vector<16xf32>,
    %swap3A_11 = arith.constant 64 : index
    %swap3A_12 = tpu.vector_load %arg4[%swap3A_11] {strides = array<i32>} : memref<1024xf32, #tpu.memory_space<vmem>>, vector<16xf32>,
    tpu.vector_store %arg4[%swap3A_11], %broadcast_in_dim3A_3 {strides = array<i32>} : memref<1024xf32, #tpu.memory_space<vmem>>, vector<16xf32>,
    %swap3A_13 = arith.constant 80 : index
    %swap3A_14 = tpu.vector_load %arg4[%swap3A_13] {strides = array<i32>} : memref<1024xf32, #tpu.memory_space<vmem>>, vector<16xf32>,
    tpu.vector_store %arg4[%swap3A_13], %broadcast_in_dim3A_3 {strides = array<i32>} : memref<1024xf32, #tpu.memory_space<vmem>>, vector<16xf32>,
    %swap3A_15 = arith.constant 96 : index
    %swap3A_16 = tpu.vector_load %arg4[%swap3A_15] {strides = array<i32>} : memref<1024xf32, #tpu.memory_space<vmem>>, vector<16xf32>,
    tpu.vector_store %arg4[%swap3A_15], %broadcast_in_dim3A_3 {strides = array<i32>} : memref<1024xf32, #tpu.memory_space<vmem>>, vector<16xf32>,
    %swap3A_17 = arith.constant 112 : index
    %swap3A_18 = tpu.vector_load %arg4[%swap3A_17] {strides = array<i32>} : memref<1024xf32, #tpu.memory_space<vmem>>, vector<16xf32>,
    tpu.vector_store %arg4[%swap3A_17], %broadcast_in_dim3A_3 {strides = array<i32>} : memref<1024xf32, #tpu.memory_space<vmem>>, vector<16xf32>,
    %swap3A_19 = arith.constant 128 : index
    %swap3A_20 = tpu.vector_load %arg4[%swap3A_19] {strides = array<i32>} : memref<1024xf32, #tpu.memory_space<vmem>>, vector<16xf32>,
    tpu.vector_store %arg4[%swap3A_19], %broadcast_in_dim3A_3 {strides = array<i32>} : memref<1024xf32, #tpu.memory_space<vmem>>, vector<16xf32>,
    %swap3A_21 = arith.constant 144 : index
    %swap3A_22 = tpu.vector_load %arg4[%swap3A_21] {strides = array<i32>} : memref<1024xf32, #tpu.memory_space<vmem>>, vector<16xf32>,
    tpu.vector_store %arg4[%swap3A_21], %broadcast_in_dim3A_3 {strides = array<i32>} : memref<1024xf32, #tpu.memory_space<vmem>>, vector<16xf32>,
    %swap3A_23 = arith.constant 160 : index
    %swap3A_24 = tpu.vector_load %arg4[%swap3A_23] {strides = array<i32>} : memref<1024xf32, #tpu.memory_space<vmem>>, vector<16xf32>,
    tpu.vector_store %arg4[%swap3A_23], %broadcast_in_dim3A_3 {strides = array<i32>} : memref<1024xf32, #tpu.memory_space<vmem>>, vector<16xf32>,
    %swap3A_25 = arith.constant 176 : index
    %swap3A_26 = tpu.vector_load %arg4[%swap3A_25] {strides = array<i32>} : memref<1024xf32, #tpu.memory_space<vmem>>, vector<16xf32>,
    tpu.vector_store %arg4[%swap3A_25], %broadcast_in_dim3A_3 {strides = array<i32>} : memref<1024xf32, #tpu.memory_space<vmem>>, vector<16xf32>,
    %swap3A_27 = arith.constant 192 : index
    %swap3A_28 = tpu.vector_load %arg4[%swap3A_27] {strides = array<i32>} : memref<1024xf32, #tpu.memory_space<vmem>>, vector<16xf32>,
    tpu.vector_store %arg4[%swap3A_27], %broadcast_in_dim3A_3 {strides = array<i32>} : memref<1024xf32, #tpu.memory_space<vmem>>, vector<16xf32>,
    %swap3A_29 = arith.constant 208 : index
    %swap3A_30 = tpu.vector_load %arg4[%swap3A_29] {strides = array<i32>} : memref<1024xf32, #tpu.memory_space<vmem>>, vector<16xf32>,
    tpu.vector_store %arg4[%swap3A_29], %broadcast_in_dim3A_3 {strides = array<i32>} : memref<1024xf32, #tpu.memory_space<vmem>>, vector<16xf32>,
    %swap3A_31 = arith.constant 224 : index
    %swap3A_32 = tpu.vector_load %arg4[%swap3A_31] {strides = array<i32>} : memref<1024xf32, #tpu.memory_space<vmem>>, vector<16xf32>,
    tpu.vector_store %arg4[%swap3A_31], %broadcast_in_dim3A_3 {strides = array<i32>} : memref<1024xf32, #tpu.memory_space<vmem>>, vector<16xf32>,
    %swap3A_33 = arith.constant 240 : index
    %swap3A_34 = tpu.vector_load %arg4[%swap3A_33] {strides = array<i32>} : memref<1024xf32, #tpu.memory_space<vmem>>, vector<16xf32>,
    tpu.vector_store %arg4[%swap3A_33], %broadcast_in_dim3A_3 {strides = array<i32>} : memref<1024xf32, #tpu.memory_space<vmem>>, vector<16xf32>,
    %swap3A_35 = arith.constant 256 : index
    %swap3A_36 = tpu.vector_load %arg4[%swap3A_35] {strides = array<i32>} : memref<1024xf32, #tpu.memory_space<vmem>>, vector<16xf32>,
    tpu.vector_store %arg4[%swap3A_35], %broadcast_in_dim3A_3 {strides = array<i32>} : memref<1024xf32, #tpu.memory_space<vmem>>, vector<16xf32>,
    %swap3A_37 = arith.constant 272 : index
    %swap3A_38 = tpu.vector_load %arg4[%swap3A_37] {strides = array<i32>} : memref<1024xf32, #tpu.memory_space<vmem>>, vector<16xf32>,
    tpu.vector_store %arg4[%swap3A_37], %broadcast_in_dim3A_3 {strides = array<i32>} : memref<1024xf32, #tpu.memory_space<vmem>>, vector<16xf32>,
    %swap3A_39 = arith.constant 288 : index
    %swap3A_40 = tpu.vector_load %arg4[%swap3A_39] {strides = array<i32>} : memref<1024xf32, #tpu.memory_space<vmem>>, vector<16xf32>,
    tpu.vector_store %arg4[%swap3A_39], %broadcast_in_dim3A_3 {strides = array<i32>} : memref<1024xf32, #tpu.memory_space<vmem>>, vector<16xf32>,
    %swap3A_41 = arith.constant 304 : index
    %swap3A_42 = tpu.vector_load %arg4[%swap3A_41] {strides = array<i32>} : memref<1024xf32, #tpu.memory_space<vmem>>, vector<16xf32>,
    tpu.vector_store %arg4[%swap3A_41], %broadcast_in_dim3A_3 {strides = array<i32>} : memref<1024xf32, #tpu.memory_space<vmem>>, vector<16xf32>,
    %swap3A_43 = arith.constant 320 : index
    %swap3A_44 = tpu.vector_load %arg4[%swap3A_43] {strides = array<i32>} : memref<1024xf32, #tpu.memory_space<vmem>>, vector<16xf32>,
    tpu.vector_store %arg4[%swap3A_43], %broadcast_in_dim3A_3 {strides = array<i32>} : memref<1024xf32, #tpu.memory_space<vmem>>, vector<16xf32>,
    %swap3A_45 = arith.constant 336 : index
    %swap3A_46 = tpu.vector_load %arg4[%swap3A_45] {strides = array<i32>} : memref<1024xf32, #tpu.memory_space<vmem>>, vector<16xf32>,
    tpu.vector_store %arg4[%swap3A_45], %broadcast_in_dim3A_3 {strides = array<i32>} : memref<1024xf32, #tpu.memory_space<vmem>>, vector<16xf32>,
    %swap3A_47 = arith.constant 352 : index
    %swap3A_48 = tpu.vector_load %arg4[%swap3A_47] {strides = array<i32>} : memref<1024xf32, #tpu.memory_space<vmem>>, vector<16xf32>,
    tpu.vector_store %arg4[%swap3A_47], %broadcast_in_dim3A_3 {strides = array<i32>} : memref<1024xf32, #tpu.memory_space<vmem>>, vector<16xf32>,
    %swap3A_49 = arith.constant 368 : index
    %swap3A_50 = tpu.vector_load %arg4[%swap3A_49] {strides = array<i32>} : memref<1024xf32, #tpu.memory_space<vmem>>, vector<16xf32>,
    tpu.vector_store %arg4[%swap3A_49], %broadcast_in_dim3A_3 {strides = array<i32>} : memref<1024xf32, #tpu.memory_space<vmem>>, vector<16xf32>,
    %swap3A_51 = arith.constant 384 : index
    %swap3A_52 = tpu.vector_load %arg4[%swap3A_51] {strides = array<i32>} : memref<1024xf32, #tpu.memory_space<vmem>>, vector<16xf32>,
    tpu.vector_store %arg4[%swap3A_51], %broadcast_in_dim3A_3 {strides = array<i32>} : memref<1024xf32, #tpu.memory_space<vmem>>, vector<16xf32>,
    %swap3A_53 = arith.constant 400 : index
    %swap3A_54 = tpu.vector_load %arg4[%swap3A_53] {strides = array<i32>} : memref<1024xf32, #tpu.memory_space<vmem>>, vector<16xf32>,
    tpu.vector_store %arg4[%swap3A_53], %broadcast_in_dim3A_3 {strides = array<i32>} : memref<1024xf32, #tpu.memory_space<vmem>>, vector<16xf32>,
    %swap3A_55 = arith.constant 416 : index
    %swap3A_56 = tpu.vector_load %arg4[%swap3A_55] {strides = array<i32>} : memref<1024xf32, #tpu.memory_space<vmem>>, vector<16xf32>,
    tpu.vector_store %arg4[%swap3A_55], %broadcast_in_dim3A_3 {strides = array<i32>} : memref<1024xf32, #tpu.memory_space<vmem>>, vector<16xf32>,
    %swap3A_57 = arith.constant 432 : index
    %swap3A_58 = tpu.vector_load %arg4[%swap3A_57] {strides = array<i32>} : memref<1024xf32, #tpu.memory_space<vmem>>, vector<16xf32>,
    tpu.vector_store %arg4[%swap3A_57], %broadcast_in_dim3A_3 {strides = array<i32>} : memref<1024xf32, #tpu.memory_space<vmem>>, vector<16xf32>,
    %swap3A_59 = arith.constant 448 : index
    %swap3A_60 = tpu.vector_load %arg4[%swap3A_59] {strides = array<i32>} : memref<1024xf32, #tpu.memory_space<vmem>>, vector<16xf32>,
    tpu.vector_store %arg4[%swap3A_59], %broadcast_in_dim3A_3 {strides = array<i32>} : memref<1024xf32, #tpu.memory_space<vmem>>, vector<16xf32>,
    %swap3A_61 = arith.constant 464 : index
    %swap3A_62 = tpu.vector_load %arg4[%swap3A_61] {strides = array<i32>} : memref<1024xf32, #tpu.memory_space<vmem>>, vector<16xf32>,
    tpu.vector_store %arg4[%swap3A_61], %broadcast_in_dim3A_3 {strides = array<i32>} : memref<1024xf32, #tpu.memory_space<vmem>>, vector<16xf32>,
    %swap3A_63 = arith.constant 480 : index
    %swap3A_64 = tpu.vector_load %arg4[%swap3A_63] {strides = array<i32>} : memref<1024xf32, #tpu.memory_space<vmem>>, vector<16xf32>,
    tpu.vector_store %arg4[%swap3A_63], %broadcast_in_dim3A_3 {strides = array<i32>} : memref<1024xf32, #tpu.memory_space<vmem>>, vector<16xf32>,
    %swap3A_65 = arith.constant 496 : index
    %swap3A_66 = tpu.vector_load %arg4[%swap3A_65] {strides = array<i32>} : memref<1024xf32, #tpu.memory_space<vmem>>, vector<16xf32>,
    tpu.vector_store %arg4[%swap3A_65], %broadcast_in_dim3A_3 {strides = array<i32>} : memref<1024xf32, #tpu.memory_space<vmem>>, vector<16xf32>,
    %swap3A_67 = arith.constant 512 : index
    %swap3A_68 = tpu.vector_load %arg4[%swap3A_67] {strides = array<i32>} : memref<1024xf32, #tpu.memory_space<vmem>>, vector<16xf32>,
    tpu.vector_store %arg4[%swap3A_67], %broadcast_in_dim3A_3 {strides = array<i32>} : memref<1024xf32, #tpu.memory_space<vmem>>, vector<16xf32>,
    %swap3A_69 = arith.constant 528 : index
    %swap3A_70 = tpu.vector_load %arg4[%swap3A_69] {strides = array<i32>} : memref<1024xf32, #tpu.memory_space<vmem>>, vector<16xf32>,
    tpu.vector_store %arg4[%swap3A_69], %broadcast_in_dim3A_3 {strides = array<i32>} : memref<1024xf32, #tpu.memory_space<vmem>>, vector<16xf32>,
    %swap3A_71 = arith.constant 544 : index
    %swap3A_72 = tpu.vector_load %arg4[%swap3A_71] {strides = array<i32>} : memref<1024xf32, #tpu.memory_space<vmem>>, vector<16xf32>,
    tpu.vector_store %arg4[%swap3A_71], %broadcast_in_dim3A_3 {strides = array<i32>} : memref<1024xf32, #tpu.memory_space<vmem>>, vector<16xf32>,
    %swap3A_73 = arith.constant 560 : index
    %swap3A_74 = tpu.vector_load %arg4[%swap3A_73] {strides = array<i32>} : memref<1024xf32, #tpu.memory_space<vmem>>, vector<16xf32>,
    tpu.vector_store %arg4[%swap3A_73], %broadcast_in_dim3A_3 {strides = array<i32>} : memref<1024xf32, #tpu.memory_space<vmem>>, vector<16xf32>,
    %swap3A_75 = arith.constant 576 : index
    %swap3A_76 = tpu.vector_load %arg4[%swap3A_75] {strides = array<i32>} : memref<1024xf32, #tpu.memory_space<vmem>>, vector<16xf32>,
    tpu.vector_store %arg4[%swap3A_75], %broadcast_in_dim3A_3 {strides = array<i32>} : memref<1024xf32, #tpu.memory_space<vmem>>, vector<16xf32>,
    %swap3A_77 = arith.constant 592 : index
    %swap3A_78 = tpu.vector_load %arg4[%swap3A_77] {strides = array<i32>} : memref<1024xf32, #tpu.memory_space<vmem>>, vector<16xf32>,
    tpu.vector_store %arg4[%swap3A_77], %broadcast_in_dim3A_3 {strides = array<i32>} : memref<1024xf32, #tpu.memory_space<vmem>>, vector<16xf32>,
    %swap3A_79 = arith.constant 608 : index
    %swap3A_80 = tpu.vector_load %arg4[%swap3A_79] {strides = array<i32>} : memref<1024xf32, #tpu.memory_space<vmem>>, vector<16xf32>,
    tpu.vector_store %arg4[%swap3A_79], %broadcast_in_dim3A_3 {strides = array<i32>} : memref<1024xf32, #tpu.memory_space<vmem>>, vector<16xf32>,
    %swap3A_81 = arith.constant 624 : index
    %swap3A_82 = tpu.vector_load %arg4[%swap3A_81] {strides = array<i32>} : memref<1024xf32, #tpu.memory_space<vmem>>, vector<16xf32>,
    tpu.vector_store %arg4[%swap3A_81], %broadcast_in_dim3A_3 {strides = array<i32>} : memref<1024xf32, #tpu.memory_space<vmem>>, vector<16xf32>,
    %swap3A_83 = arith.constant 640 : index
    %swap3A_84 = tpu.vector_load %arg4[%swap3A_83] {strides = array<i32>} : memref<1024xf32, #tpu.memory_space<vmem>>, vector<16xf32>,
    tpu.vector_store %arg4[%swap3A_83], %broadcast_in_dim3A_3 {strides = array<i32>} : memref<1024xf32, #tpu.memory_space<vmem>>, vector<16xf32>,
    %swap3A_85 = arith.constant 656 : index
    %swap3A_86 = tpu.vector_load %arg4[%swap3A_85] {strides = array<i32>} : memref<1024xf32, #tpu.memory_space<vmem>>, vector<16xf32>,
    tpu.vector_store %arg4[%swap3A_85], %broadcast_in_dim3A_3 {strides = array<i32>} : memref<1024xf32, #tpu.memory_space<vmem>>, vector<16xf32>,
    %swap3A_87 = arith.constant 672 : index
    %swap3A_88 = tpu.vector_load %arg4[%swap3A_87] {strides = array<i32>} : memref<1024xf32, #tpu.memory_space<vmem>>, vector<16xf32>,
    tpu.vector_store %arg4[%swap3A_87], %broadcast_in_dim3A_3 {strides = array<i32>} : memref<1024xf32, #tpu.memory_space<vmem>>, vector<16xf32>,
    %swap3A_89 = arith.constant 688 : index
    %swap3A_90 = tpu.vector_load %arg4[%swap3A_89] {strides = array<i32>} : memref<1024xf32, #tpu.memory_space<vmem>>, vector<16xf32>,
    tpu.vector_store %arg4[%swap3A_89], %broadcast_in_dim3A_3 {strides = array<i32>} : memref<1024xf32, #tpu.memory_space<vmem>>, vector<16xf32>,
    %swap3A_91 = arith.constant 704 : index
    %swap3A_92 = tpu.vector_load %arg4[%swap3A_91] {strides = array<i32>} : memref<1024xf32, #tpu.memory_space<vmem>>, vector<16xf32>,
    tpu.vector_store %arg4[%swap3A_91], %broadcast_in_dim3A_3 {strides = array<i32>} : memref<1024xf32, #tpu.memory_space<vmem>>, vector<16xf32>,
    %swap3A_93 = arith.constant 720 : index
    %swap3A_94 = tpu.vector_load %arg4[%swap3A_93] {strides = array<i32>} : memref<1024xf32, #tpu.memory_space<vmem>>, vector<16xf32>,
    tpu.vector_store %arg4[%swap3A_93], %broadcast_in_dim3A_3 {strides = array<i32>} : memref<1024xf32, #tpu.memory_space<vmem>>, vector<16xf32>,
    %swap3A_95 = arith.constant 736 : index
    %swap3A_96 = tpu.vector_load %arg4[%swap3A_95] {strides = array<i32>} : memref<1024xf32, #tpu.memory_space<vmem>>, vector<16xf32>,
    tpu.vector_store %arg4[%swap3A_95], %broadcast_in_dim3A_3 {strides = array<i32>} : memref<1024xf32, #tpu.memory_space<vmem>>, vector<16xf32>,
    %swap3A_97 = arith.constant 752 : index
    %swap3A_98 = tpu.vector_load %arg4[%swap3A_97] {strides = array<i32>} : memref<1024xf32, #tpu.memory_space<vmem>>, vector<16xf32>,
    tpu.vector_store %arg4[%swap3A_97], %broadcast_in_dim3A_3 {strides = array<i32>} : memref<1024xf32, #tpu.memory_space<vmem>>, vector<16xf32>,
    %swap3A_99 = arith.constant 768 : index
    %swap3A_100 = tpu.vector_load %arg4[%swap3A_99] {strides = array<i32>} : memref<1024xf32, #tpu.memory_space<vmem>>, vector<16xf32>,
    tpu.vector_store %arg4[%swap3A_99], %broadcast_in_dim3A_3 {strides = array<i32>} : memref<1024xf32, #tpu.memory_space<vmem>>, vector<16xf32>,
    %swap3A_101 = arith.constant 784 : index
    %swap3A_102 = tpu.vector_load %arg4[%swap3A_101] {strides = array<i32>} : memref<1024xf32, #tpu.memory_space<vmem>>, vector<16xf32>,
    tpu.vector_store %arg4[%swap3A_101], %broadcast_in_dim3A_3 {strides = array<i32>} : memref<1024xf32, #tpu.memory_space<vmem>>, vector<16xf32>,
    %swap3A_103 = arith.constant 800 : index
    %swap3A_104 = tpu.vector_load %arg4[%swap3A_103] {strides = array<i32>} : memref<1024xf32, #tpu.memory_space<vmem>>, vector<16xf32>,
    tpu.vector_store %arg4[%swap3A_103], %broadcast_in_dim3A_3 {strides = array<i32>} : memref<1024xf32, #tpu.memory_space<vmem>>, vector<16xf32>,
    %swap3A_105 = arith.constant 816 : index
    %swap3A_106 = tpu.vector_load %arg4[%swap3A_105] {strides = array<i32>} : memref<1024xf32, #tpu.memory_space<vmem>>, vector<16xf32>,
    tpu.vector_store %arg4[%swap3A_105], %broadcast_in_dim3A_3 {strides = array<i32>} : memref<1024xf32, #tpu.memory_space<vmem>>, vector<16xf32>,
    %swap3A_107 = arith.constant 832 : index
    %swap3A_108 = tpu.vector_load %arg4[%swap3A_107] {strides = array<i32>} : memref<1024xf32, #tpu.memory_space<vmem>>, vector<16xf32>,
    tpu.vector_store %arg4[%swap3A_107], %broadcast_in_dim3A_3 {strides = array<i32>} : memref<1024xf32, #tpu.memory_space<vmem>>, vector<16xf32>,
    %swap3A_109 = arith.constant 848 : index
    %swap3A_110 = tpu.vector_load %arg4[%swap3A_109] {strides = array<i32>} : memref<1024xf32, #tpu.memory_space<vmem>>, vector<16xf32>,
    tpu.vector_store %arg4[%swap3A_109], %broadcast_in_dim3A_3 {strides = array<i32>} : memref<1024xf32, #tpu.memory_space<vmem>>, vector<16xf32>,
    %swap3A_111 = arith.constant 864 : index
    %swap3A_112 = tpu.vector_load %arg4[%swap3A_111] {strides = array<i32>} : memref<1024xf32, #tpu.memory_space<vmem>>, vector<16xf32>,
    tpu.vector_store %arg4[%swap3A_111], %broadcast_in_dim3A_3 {strides = array<i32>} : memref<1024xf32, #tpu.memory_space<vmem>>, vector<16xf32>,
    %swap3A_113 = arith.constant 880 : index
    %swap3A_114 = tpu.vector_load %arg4[%swap3A_113] {strides = array<i32>} : memref<1024xf32, #tpu.memory_space<vmem>>, vector<16xf32>,
    tpu.vector_store %arg4[%swap3A_113], %broadcast_in_dim3A_3 {strides = array<i32>} : memref<1024xf32, #tpu.memory_space<vmem>>, vector<16xf32>,
    %swap3A_115 = arith.constant 896 : index
    %swap3A_116 = tpu.vector_load %arg4[%swap3A_115] {strides = array<i32>} : memref<1024xf32, #tpu.memory_space<vmem>>, vector<16xf32>,
    tpu.vector_store %arg4[%swap3A_115], %broadcast_in_dim3A_3 {strides = array<i32>} : memref<1024xf32, #tpu.memory_space<vmem>>, vector<16xf32>,
    %swap3A_117 = arith.constant 912 : index
    %swap3A_118 = tpu.vector_load %arg4[%swap3A_117] {strides = array<i32>} : memref<1024xf32, #tpu.memory_space<vmem>>, vector<16xf32>,
    tpu.vector_store %arg4[%swap3A_117], %broadcast_in_dim3A_3 {strides = array<i32>} : memref<1024xf32, #tpu.memory_space<vmem>>, vector<16xf32>,
    %swap3A_119 = arith.constant 928 : index
    %swap3A_120 = tpu.vector_load %arg4[%swap3A_119] {strides = array<i32>} : memref<1024xf32, #tpu.memory_space<vmem>>, vector<16xf32>,
    tpu.vector_store %arg4[%swap3A_119], %broadcast_in_dim3A_3 {strides = array<i32>} : memref<1024xf32, #tpu.memory_space<vmem>>, vector<16xf32>,
    %swap3A_121 = arith.constant 944 : index
    %swap3A_122 = tpu.vector_load %arg4[%swap3A_121] {strides = array<i32>} : memref<1024xf32, #tpu.memory_space<vmem>>, vector<16xf32>,
    tpu.vector_store %arg4[%swap3A_121], %broadcast_in_dim3A_3 {strides = array<i32>} : memref<1024xf32, #tpu.memory_space<vmem>>, vector<16xf32>,
    %swap3A_123 = arith.constant 960 : index
    %swap3A_124 = tpu.vector_load %arg4[%swap3A_123] {strides = array<i32>} : memref<1024xf32, #tpu.memory_space<vmem>>, vector<16xf32>,
    tpu.vector_store %arg4[%swap3A_123], %broadcast_in_dim3A_3 {strides = array<i32>} : memref<1024xf32, #tpu.memory_space<vmem>>, vector<16xf32>,
    %swap3A_125 = arith.constant 976 : index
    %swap3A_126 = tpu.vector_load %arg4[%swap3A_125] {strides = array<i32>} : memref<1024xf32, #tpu.memory_space<vmem>>, vector<16xf32>,
    tpu.vector_store %arg4[%swap3A_125], %broadcast_in_dim3A_3 {strides = array<i32>} : memref<1024xf32, #tpu.memory_space<vmem>>, vector<16xf32>,
    %swap3A_127 = arith.constant 992 : index
    %swap3A_128 = tpu.vector_load %arg4[%swap3A_127] {strides = array<i32>} : memref<1024xf32, #tpu.memory_space<vmem>>, vector<16xf32>,
    tpu.vector_store %arg4[%swap3A_127], %broadcast_in_dim3A_3 {strides = array<i32>} : memref<1024xf32, #tpu.memory_space<vmem>>, vector<16xf32>,
    %swap3A_129 = arith.constant 1008 : index
    %swap3A_130 = tpu.vector_load %arg4[%swap3A_129] {strides = array<i32>} : memref<1024xf32, #tpu.memory_space<vmem>>, vector<16xf32>,
    tpu.vector_store %arg4[%swap3A_129], %broadcast_in_dim3A_3 {strides = array<i32>} : memref<1024xf32, #tpu.memory_space<vmem>>, vector<16xf32>,
    %get3A = arith.constant 0 : index
    %get3A_131 = tpu.vector_load %arg5[%get3A] {strides = array<i32>} : memref<16xi32, #tpu.memory_space<vmem>>, vector<16xi32>,
    %ge3A = vector.broadcast %mul3A_2 : i32 to vector<16xi32>
    %ge3A_132 = arith.cmpi sge, %get3A_131, %ge3A : vector<16xi32>
    %add3A_133 = arith.constant 1024 : i32
    %add3A_134 = arith.addi %mul3A_2, %add3A_133 : i32
    %lt3A = vector.broadcast %add3A_134 : i32 to vector<16xi32>
    %lt3A_135 = arith.cmpi slt, %get3A_131, %lt3A : vector<16xi32>
    %and3A = arith.andi %ge3A_132, %lt3A_135 : vector<16xi1>
    %sub3A = vector.broadcast %mul3A_2 : i32 to vector<16xi32>
    %sub3A_136 = arith.subi %get3A_131, %sub3A : vector<16xi32>
    %jit3A = arith.constant 0 : i32
    %broadcast_in_dim3A_137 = vector.broadcast %jit3A : i32 to vector<16xi32>
    %select_n3A = arith.select %and3A, %sub3A_136, %broadcast_in_dim3A_137 : vector<16xi1>, vector<16xi32>
    %broadcast_in_dim3A_138 = arith.constant 1.000000e+00 : f32
    %broadcast_in_dim3A_139 = vector.broadcast %broadcast_in_dim3A_138 : f32 to vector<16xf32>
    tpu.vector_store_idx %arg4[%select_n3A], %broadcast_in_dim3A_139 masked %and3A : memref<1024xf32, #tpu.memory_space<vmem>>[vector<16xi32>], vector<16xf32>, vector<16xi1>
    "tpu.region"() ({
      %run_scoped3A = tpu.sem_alloc : memref<!tpu.dma_semaphore, #tpu.memory_space<semaphore_mem>>
      %dma_start3A = tpu.memref_slice %arg3[%mul3A_2] : memref<32768xf32, #tpu.memory_space<hbm>> -> memref<1024xf32, #tpu.memory_space<hbm>>
      %dma_start3A_140 = tpu.memref_slice %arg3[%mul3A_2] : memref<32768xf32, #tpu.memory_space<hbm>> -> memref<1024xf32, #tpu.memory_space<hbm>>
      tpu.enqueue_dma source(%arg4 : memref<1024xf32, #tpu.memory_space<vmem>>) target(%dma_start3A_140 : memref<1024xf32, #tpu.memory_space<hbm>>) target_semaphore(%run_scoped3A : memref<!tpu.dma_semaphore, #tpu.memory_space<semaphore_mem>>)
      %dma_wait3A = tpu.memref_slice %arg3[%mul3A_2] : memref<32768xf32, #tpu.memory_space<hbm>> -> memref<1024xf32, #tpu.memory_space<hbm>>
      %dma_wait3A_141 = tpu.memref_slice %arg3[%mul3A_2] : memref<32768xf32, #tpu.memory_space<hbm>> -> memref<1024xf32, #tpu.memory_space<hbm>>
      tpu.wait_dma2 semaphore(%run_scoped3A : memref<!tpu.dma_semaphore, #tpu.memory_space<semaphore_mem>>) src(%arg4 : memref<1024xf32, #tpu.memory_space<vmem>>) dst(%dma_wait3A_141 : memref<1024xf32, #tpu.memory_space<hbm>>)
      tpu.yield
    }) : () -> ()
    return
  }
}

module attributes {stable_mosaic.version = 14 : i64} {
  func.func @_routing_block(%arg0: i32, %arg1: memref<2xf32, #tpu.memory_space<smem>>, %arg2: memref<1024x768xf32, #tpu.memory_space<vmem>>, %arg3: memref<768x768xf32, #tpu.memory_space<vmem>>, %arg4: memref<768x768xf32, #tpu.memory_space<vmem>>, %arg5: memref<1x8x128xf32, #tpu.memory_space<vmem>>, %arg6: memref<1x8x128xf32, #tpu.memory_space<vmem>>, %arg7: memref<8x768xf32, #tpu.memory_space<vmem>>) attributes {dimension_semantics = [#tpu.dimension_semantics<arbitrary>], iteration_bounds = array<i64: 32>, scalar_prefetch = 0 : i64, scratch_operands = 1 : i64, tpu.core_type = #tpu.core_type<tc>, window_params = [{transform_indices = @transform_0, window_bounds = array<i64: 2>}, {transform_indices = @transform_1, window_bounds = array<i64: 1024, 768>}, {pipeline_mode = #tpu.pipeline_mode<synchronous>, transform_indices = @transform_2, window_bounds = array<i64: 768, 768>}, {pipeline_mode = #tpu.pipeline_mode<synchronous>, transform_indices = @transform_3, window_bounds = array<i64: 768, 768>}, {transform_indices = @transform_4, window_bounds = array<i64: 1, 8, 128>}, {transform_indices = @transform_5, window_bounds = array<i64: 1, 8, 128>}]} {
    %get3A = arith.constant 0 : index
    %get3A_0 = arith.constant 0 : index
    %get3A_1 = vector.load %arg2[%get3A, %get3A_0] : memref<1024x768xf32, #tpu.memory_space<vmem>>, vector<1024x768xf32>
    %get3A_2 = arith.constant 0 : index
    %get3A_3 = arith.constant 0 : index
    %get3A_4 = vector.load %arg3[%get3A_2, %get3A_3] : memref<768x768xf32, #tpu.memory_space<vmem>>, vector<768x768xf32>
    %dot_general3A = arith.constant dense<0.000000e+00> : vector<1024x768xf32>
    %dot_general3A_5 = tpu.matmul %get3A_1, %get3A_4, %dot_general3A {dimension_numbers = #tpu.dot_dimension_numbers<[1], [1], [0], [0], [0, 0, 1, 0], [], []>, transpose_lhs_hint = false} : vector<1024x768xf32>, vector<768x768xf32>, vector<1024x768xf32> -> vector<1024x768xf32>
    %get3A_6 = arith.constant 0 : index
    %get3A_7 = arith.constant 0 : index
    %get3A_8 = vector.load %arg4[%get3A_6, %get3A_7] : memref<768x768xf32, #tpu.memory_space<vmem>>, vector<768x768xf32>
    %dot_general3A_9 = arith.constant dense<0.000000e+00> : vector<1024x768xf32>
    %dot_general3A_10 = tpu.matmul %get3A_1, %get3A_8, %dot_general3A_9 {dimension_numbers = #tpu.dot_dimension_numbers<[1], [1], [0], [0], [0, 0, 1, 0], [], []>, transpose_lhs_hint = false} : vector<1024x768xf32>, vector<768x768xf32>, vector<1024x768xf32> -> vector<1024x768xf32>
    %get3A_11 = arith.constant 7 : index
    %get3A_12 = arith.constant 0 : index
    %get3A_13 = vector.load %arg7[%get3A_11, %get3A_12] : memref<8x768xf32, #tpu.memory_space<vmem>>, vector<1x768xf32>
    %slice3A = vector.extract_strided_slice %dot_general3A_5 {offsets = [1016, 0], sizes = [8, 768], strides = [1, 1]} : vector<1024x768xf32> to vector<8x768xf32>
    %swap3A = arith.constant 0 : index
    %swap3A_14 = arith.constant 0 : index
    %swap3A_15 = vector.load %arg7[%swap3A, %swap3A_14] : memref<8x768xf32, #tpu.memory_space<vmem>>, vector<8x768xf32>
    tpu.vector_store %arg7[%swap3A, %swap3A_14], %slice3A {strides = array<i32>} : memref<8x768xf32, #tpu.memory_space<vmem>>, vector<8x768xf32>,
    %iota3A = tpu.iota {dimensions = array<i32: 0>} : vector<1024x1xi32>
    %eq3A = arith.constant 0 : i32
    %eq3A_16 = vector.broadcast %eq3A : i32 to vector<1024x1xi32>
    %eq3A_17 = arith.cmpi eq, %iota3A, %eq3A_16 : vector<1024x1xi32>
    %roll3A = arith.constant 1 : i32
    %roll3A_18 = tpu.dynamic_rotate %dot_general3A_5 by %roll3A dim 0 : vector<1024x768xf32>, i32 -> vector<1024x768xf32>
    %broadcast_in_dim3A = vector.shape_cast %eq3A_17 : vector<1024x1xi1> to vector<1024x1xi1>
    %broadcast_in_dim3A_19 = vector.broadcast %broadcast_in_dim3A : vector<1024x1xi1> to vector<1024x768xi1>
    %broadcast_in_dim3A_20 = vector.shape_cast %get3A_13 : vector<1x768xf32> to vector<1x768xf32>
    %broadcast_in_dim3A_21 = vector.broadcast %broadcast_in_dim3A_20 : vector<1x768xf32> to vector<1024x768xf32>
    %select_n3A = arith.select %broadcast_in_dim3A_19, %broadcast_in_dim3A_21, %roll3A_18 : vector<1024x768xi1>, vector<1024x768xf32>
    %mul3A = arith.mulf %select_n3A, %dot_general3A_10 : vector<1024x768xf32>
    %reduce_sum3A = arith.constant dense<0.000000e+00> : vector<1024xf32>
    %reduce_sum3A_22 = vector.multi_reduction <add>, %mul3A, %reduce_sum3A [1] : vector<1024x768xf32> to vector<1024xf32>
    %broadcast_in_dim3A_23 = vector.shape_cast %reduce_sum3A_22 : vector<1024xf32> to vector<1024x1xf32>
    %mul3A_24 = arith.mulf %select_n3A, %select_n3A : vector<1024x768xf32>
    %reduce_sum3A_25 = arith.constant dense<0.000000e+00> : vector<1024xf32>
    %reduce_sum3A_26 = vector.multi_reduction <add>, %mul3A_24, %reduce_sum3A_25 [1] : vector<1024x768xf32> to vector<1024xf32>
    %broadcast_in_dim3A_27 = vector.shape_cast %reduce_sum3A_26 : vector<1024xf32> to vector<1024x1xf32>
    %sqrt3A = math.sqrt %broadcast_in_dim3A_27 : vector<1024x1xf32>
    %max3A = arith.constant 9.99999996E-13 : f32
    %max3A_28 = vector.broadcast %max3A : f32 to vector<1024x1xf32>
    %max3A_29 = arith.maximumf %sqrt3A, %max3A_28 : vector<1024x1xf32>
    %mul3A_30 = arith.mulf %dot_general3A_10, %dot_general3A_10 : vector<1024x768xf32>
    %reduce_sum3A_31 = arith.constant dense<0.000000e+00> : vector<1024xf32>
    %reduce_sum3A_32 = vector.multi_reduction <add>, %mul3A_30, %reduce_sum3A_31 [1] : vector<1024x768xf32> to vector<1024xf32>
    %broadcast_in_dim3A_33 = vector.shape_cast %reduce_sum3A_32 : vector<1024xf32> to vector<1024x1xf32>
    %sqrt3A_34 = math.sqrt %broadcast_in_dim3A_33 : vector<1024x1xf32>
    %max3A_35 = arith.constant 9.99999996E-13 : f32
    %max3A_36 = vector.broadcast %max3A_35 : f32 to vector<1024x1xf32>
    %max3A_37 = arith.maximumf %sqrt3A_34, %max3A_36 : vector<1024x1xf32>
    %mul3A_38 = arith.mulf %max3A_29, %max3A_37 : vector<1024x1xf32>
    %div3A = arith.divf %broadcast_in_dim3A_23, %mul3A_38 : vector<1024x1xf32>
    %get3A_39 = arith.constant 0 : index
    %get3A_40 = memref.load %arg1[%get3A_39] : memref<2xf32, #tpu.memory_space<smem>>
    %abs3A = math.absf %get3A_40 : f32
    %jit3A = arith.constant 1.000000e-01 : f32
    %jit3A_41 = arith.constant 2.000000e+00 : f32
    %max3A_42 = arith.maximumf %jit3A, %abs3A : f32
    %min3A = arith.minimumf %jit3A_41, %max3A_42 : f32
    %sub3A = arith.constant 1.000000e+00 : f32
    %sub3A_43 = vector.broadcast %sub3A : f32 to vector<1024x1xf32>
    %sub3A_44 = arith.subf %sub3A_43, %div3A : vector<1024x1xf32>
    %get3A_45 = arith.constant 1 : index
    %get3A_46 = memref.load %arg1[%get3A_45] : memref<2xf32, #tpu.memory_space<smem>>
    %add3A = vector.broadcast %get3A_46 : f32 to vector<1024x1xf32>
    %add3A_47 = arith.addf %sub3A_44, %add3A : vector<1024x1xf32>
    %div3A_48 = vector.broadcast %min3A : f32 to vector<1024x1xf32>
    %div3A_49 = arith.divf %add3A_47, %div3A_48 : vector<1024x1xf32>
    %logistic3A = arith.negf %div3A_49 : vector<1024x1xf32>
    %logistic3A_50 = math.exp %logistic3A : vector<1024x1xf32>
    %logistic3A_51 = arith.constant 1.000000e+00 : f32
    %logistic3A_52 = vector.broadcast %logistic3A_51 : f32 to vector<1024x1xf32>
    %logistic3A_53 = arith.addf %logistic3A_52, %logistic3A_50 : vector<1024x1xf32>
    %logistic3A_54 = arith.divf %logistic3A_52, %logistic3A_53 : vector<1024x1xf32>
    %reshape3A = vector.shape_cast %logistic3A_54 : vector<1024x1xf32> to vector<1x8x128xf32>
    %mul3A_55 = arith.constant 1024 : i32
    %mul3A_56 = arith.muli %arg0, %mul3A_55 : i32
    %iota3A_57 = tpu.iota {dimensions = array<i32: 1>} : vector<1x8x128xi32>
    %mul3A_58 = arith.constant 128 : i32
    %mul3A_59 = vector.broadcast %mul3A_58 : i32 to vector<1x8x128xi32>
    %mul3A_60 = arith.muli %iota3A_57, %mul3A_59 : vector<1x8x128xi32>
    %add3A_61 = vector.broadcast %mul3A_56 : i32 to vector<1x8x128xi32>
    %add3A_62 = arith.addi %add3A_61, %mul3A_60 : vector<1x8x128xi32>
    %iota3A_63 = tpu.iota {dimensions = array<i32: 2>} : vector<1x8x128xi32>
    %add3A_64 = arith.addi %add3A_62, %iota3A_63 : vector<1x8x128xi32>
    %eq3A_65 = arith.constant 0 : i32
    %eq3A_66 = vector.broadcast %eq3A_65 : i32 to vector<1x8x128xi32>
    %eq3A_67 = arith.cmpi eq, %add3A_64, %eq3A_66 : vector<1x8x128xi32>
    %get3A_68 = arith.constant 0 : index
    %get3A_69 = arith.constant 0 : index
    %get3A_70 = arith.constant 0 : index
    %get3A_71 = vector.load %arg5[%get3A_68, %get3A_69, %get3A_70] : memref<1x8x128xf32, #tpu.memory_space<vmem>>, vector<1x8x128xf32>
    %gt3A = arith.constant 0.000000e+00 : f32
    %gt3A_72 = vector.broadcast %gt3A : f32 to vector<1x8x128xf32>
    %gt3A_73 = arith.cmpf ogt, %get3A_71, %gt3A_72 : vector<1x8x128xf32>
    %or3A = arith.ori %eq3A_67, %gt3A_73 : vector<1x8x128xi1>
    %jit3A_74 = arith.constant 1.000000e+00 : f32
    %broadcast_in_dim3A_75 = vector.broadcast %jit3A_74 : f32 to vector<1x8x128xf32>
    %select_n3A_76 = arith.select %or3A, %broadcast_in_dim3A_75, %reshape3A : vector<1x8x128xi1>, vector<1x8x128xf32>
    %swap3A_77 = arith.constant 0 : index
    %swap3A_78 = arith.constant 0 : index
    %swap3A_79 = arith.constant 0 : index
    %swap3A_80 = vector.load %arg6[%swap3A_77, %swap3A_78, %swap3A_79] : memref<1x8x128xf32, #tpu.memory_space<vmem>>, vector<1x8x128xf32>
    tpu.vector_store %arg6[%swap3A_77, %swap3A_78, %swap3A_79], %select_n3A_76 {strides = array<i32>} : memref<1x8x128xf32, #tpu.memory_space<vmem>>, vector<1x8x128xf32>,
    return
  }
  func.func @transform_0(%arg0: i32) -> i32 {
    %c0_i32 = arith.constant 0 : i32
    %c0_i32_0 = arith.constant 0 : i32
    return %c0_i32 : i32
  }
  func.func @transform_1(%arg0: i32) -> (i32, i32) {
    %c0_i32 = arith.constant 0 : i32
    %c0_i32_0 = arith.constant 0 : i32
    return %arg0, %c0_i32 : i32, i32
  }
  func.func @transform_2(%arg0: i32) -> (i32, i32) {
    %c0_i32 = arith.constant 0 : i32
    %c0_i32_0 = arith.constant 0 : i32
    %c0_i32_1 = arith.constant 0 : i32
    return %c0_i32, %c0_i32_0 : i32, i32
  }
  func.func @transform_3(%arg0: i32) -> (i32, i32) {
    %c0_i32 = arith.constant 0 : i32
    %c0_i32_0 = arith.constant 0 : i32
    %c0_i32_1 = arith.constant 0 : i32
    return %c0_i32, %c0_i32_0 : i32, i32
  }
  func.func @transform_4(%arg0: i32) -> (i32, i32, i32) {
    %c0_i32 = arith.constant 0 : i32
    %c0_i32_0 = arith.constant 0 : i32
    %c0_i32_1 = arith.constant 0 : i32
    return %arg0, %c0_i32, %c0_i32_0 : i32, i32, i32
  }
  func.func @transform_5(%arg0: i32) -> (i32, i32, i32) {
    %c0_i32 = arith.constant 0 : i32
    %c0_i32_0 = arith.constant 0 : i32
    %c0_i32_1 = arith.constant 0 : i32
    return %arg0, %c0_i32, %c0_i32_0 : i32, i32, i32
  }
}

</mosaic_0001>

<sc_bundles>
// kernel: kernel.4.cloned.1.call-start
scs
__scs_entry_jumppad:
0x0: {  	(pc) =	sbr.rel $0x88, $3  }
0x1: {  	(tag) =	ssettag $0x0;
	lr =	simm.s32 $0x1  }
0x2: {  	[smem:$0x3F9B] =	sst lr;
	_ =	strace $0xD0000000  }
0x3: {  	_ = 	snop  }
0x4: {  	_ = 	snop  }
0x5: {  	_ = 	snop  }
0x6: {  	_ = 	snop  }
0x7: {  	_ = 	snop  }
__scs_overlays_trampoline_lowered:
0x8: {  	[smem:$0x3FAA] =	sst s0  }
0x9: {  	[smem:$0x3FAB] =	sst s1  }
0xa: {  	[smem:$0x3FAC] =	sst s2  }
0xb: {  	[smem:$0x3FAD] =	sst s3  }
0xc: {  	[smem:$0x3FAE] =	sst s4  }
0xd: {  	[smem:$0x3FAF] =	sst s5  }
0xe: {  	[smem:$0x3FB0] =	sst s6  }
0xf: {  	[smem:$0x3FB1] =	sst s7  }
0x10: {  	[smem:$0x3FB2] =	sst s8  }
0x11: {  	[smem:$0x3FB3] =	sst s9;
	s0 =	simm.s32 @!p0 $0x0  }
0x12: {  	s1 =	sld [smem:$0x3F99];
	s0 =	simm.s32 @p0 $0x1  }
0x13: {  	[smem:$0x3FB4] =	sst s0;
	s0 =	simm.s32 @!p1 $0x0  }
0x14: {  	s2 =	sld [smem:$0x3F98];
	s0 =	simm.s32 @p1 $0x1  }
0x15: {  	[smem:$0x3FB5] =	sst s0;
	s0 =	simm.s32 @!p2 $0x0  }
0x16: {  	s3 =	sld [smem:$0x3FDB];
	s0 =	simm.s32 @p2 $0x1  }
0x17: {  	s4 =	simm.s32 $0x1BF5;
	[smem:$0x3FB7] =	sst s0  }
0x18: {  	s0 =	sld [smem:$0x3F9A];
	_ =	swait.ge [sflag:s4], $0x0  }
0x19: {  	s7 =	sld [smem:$0x3F9B]  }
0x1a: {  	s8 =	sadd.s32 $0xFFFFE003, lr  }
0x1b: {  	s9 =	sadd.s32 $0xFFFFFEF7, lr;
	s5 =	simm.s32 $0xFFFFFFFF;
	p2 =	slt.u32 s8, $0xFFFFF086  }
0x1c: {  	p1 =	slt.u32 s9, $0xF7A;
	s5 =	simm.s32 @!p2 $0x0  }
0x1d: {  	s5 =	simm.s32 @p1 $0x1;
	p0 =	seq.s32 s7, s2  }
0x1e: {  	s7 =	smul.u32 @!p0 $0xF7A, s2;
	p2 =	seq.s32 @!p0 s5, $0x0  }
0x1f: {  	s9 =	smul.u32 $0xF7A, s1;
	s8 =	simm.s32 @!p0 $0x1BF5;
	p2 =	por !p2, p0  }
0x20: {  	[sflag:s8] =	ssyncset.s32 @!p0 $0xFFFFF086;
	s6 =	sadd.s32 @!p0 s3, s7;
	s7 =	simm.s32 @!p0 $0x108  }
0x21: {  	s3 =	sadd.s32 s3, s9;
	s6 =	sadd.s32 @!p0 $0x88, s6;
	s7 =	simm.s32 @p2 $0x1082  }
0x22: {  	[simem:s7], [sflag:s8] =	dma.local @!p0 [hbm:s6], $0xF7A  }
0x23: {  	s9 =	sor.u32 $0xD0000000, s2;
	s6 =	simm.s32 $0x108;
	_ =	swait.ge @!p0 [sflag:s8], $0x0  }
0x24: {  	s3 =	sadd.s32 $0x88, s3;
	s6 =	simm.s32 @!p1 $0x1082;
	[sflag:s4] =	ssyncset.s32 $0xFFFFF086  }
0x25: {  	[simem:s6], [sflag:s4] =	dma.local [hbm:s3], $0xF7A  }
0x26: {  	[smem:$0x3F9B] =	sst s1;
	(tag) =	ssettag s2;
	_ =	strace s9  }
0x27: {  	s1 =	sld [smem:$0x3FAB]  }
0x28: {  	s2 =	sld [smem:$0x3FAC]  }
0x29: {  	s4 =	sld [smem:$0x3FAE]  }
0x2a: {  	p0 =	seq.s32 s5, $0x0;
	s5 =	sld [smem:$0x3FAF]  }
0x2b: {  	s6 =	sld [smem:$0x3FB0]  }
0x2c: {  	s7 =	sld [smem:$0x3FB1]  }
0x2d: {  	s3 =	simm.s32 $0x108;
	s8 =	sld [smem:$0x3FB2]  }
0x2e: {  	s3 =	simm.s32 @!p0 $0x1082;
	s9 =	sld [smem:$0x3FB3]  }
0x2f: {  	lr =	sadd.s32 s0, s3;
	s0 =	sld [smem:$0x3FAA]  }
0x30: {  	s3 =	sld [smem:$0x3FAD]  }
0x31: {  	[smem:$0x3FB6] =	sst s10  }
0x32: {  	s10 =	sld [smem:$0x3FB4];
	_ =	sdelay $0x3  }
0x33: {  	p0 =	seq.s32 s10, $0x1;
	s10 =	sld [smem:$0x3FB6];
	_ =	sdelay $0x3  }
0x34: {  	[smem:$0x3FB6] =	sst s10  }
0x35: {  	s10 =	sld [smem:$0x3FB5];
	_ =	sdelay $0x3  }
0x36: {  	p1 =	seq.s32 s10, $0x1;
	s10 =	sld [smem:$0x3FB6];
	_ =	sdelay $0x3  }
0x37: {  	[smem:$0x3FB6] =	sst s10  }
0x38: {  	s10 =	sld [smem:$0x3FB7]  }
0x39: {  	_ = 	snop;
	(pc) =	sbr.ind lr, $3  }
0x3a: {  	_ = 	snop  }
0x3b: {  	_ = 	snop  }
0x3c: {  	p2 =	seq.s32 s10, $0x1;
	s10 =	sld [smem:$0x3FB6]  }
0x3d: {  	_ =	shalt  }
0x3e: {  	_ =	shalt  }
0x3f: {  	_ =	shalt  }
0x40: {  	_ =	shalt  }
0x41: {  	_ =	shalt  }
0x42: {  	_ =	shalt  }
0x43: {  	_ =	shalt  }
0x44: {  	_ =	shalt  }
0x45: {  	_ =	shalt  }
0x46: {  	_ =	shalt  }
0x47: {  	_ =	shalt  }
0x48: {  	_ =	shalt  }
0x49: {  	_ =	shalt  }
0x4a: {  	_ =	shalt  }
0x4b: {  	_ =	shalt  }
0x4c: {  	_ =	shalt  }
0x4d: {  	_ =	shalt  }
0x4e: {  	_ =	shalt  }
0x4f: {  	_ =	shalt  }
0x50: {  	_ =	shalt  }
0x51: {  	_ =	shalt  }
0x52: {  	_ =	shalt  }
0x53: {  	_ =	shalt  }
0x54: {  	_ =	shalt  }
0x55: {  	_ =	shalt  }
0x56: {  	_ =	shalt  }
0x57: {  	_ =	shalt  }
0x58: {  	_ =	shalt  }
0x59: {  	_ =	shalt  }
0x5a: {  	_ =	shalt  }
0x5b: {  	_ =	shalt  }
0x5c: {  	_ =	shalt  }
0x5d: {  	_ =	shalt  }
0x5e: {  	_ =	shalt  }
0x5f: {  	_ =	shalt  }
0x60: {  	_ =	shalt  }
0x61: {  	_ =	shalt  }
0x62: {  	_ =	shalt  }
0x63: {  	_ =	shalt  }
0x64: {  	_ =	shalt  }
0x65: {  	_ =	shalt  }
0x66: {  	_ =	shalt  }
0x67: {  	_ =	shalt  }
0x68: {  	_ =	shalt  }
0x69: {  	_ =	shalt  }
0x6a: {  	_ =	shalt  }
0x6b: {  	_ =	shalt  }
0x6c: {  	_ =	shalt  }
0x6d: {  	_ =	shalt  }
0x6e: {  	_ =	shalt  }
0x6f: {  	_ =	shalt  }
0x70: {  	_ =	shalt  }
0x71: {  	_ =	shalt  }
0x72: {  	_ =	shalt  }
0x73: {  	_ =	shalt  }
0x74: {  	_ =	shalt  }
0x75: {  	_ =	shalt  }
0x76: {  	_ =	shalt  }
0x77: {  	_ =	shalt  }
0x78: {  	_ =	shalt  }
0x79: {  	_ =	shalt  }
0x7a: {  	_ =	shalt  }
0x7b: {  	_ =	shalt  }
0x7c: {  	_ =	shalt  }
0x7d: {  	_ =	shalt  }
0x7e: {  	_ =	shalt  }
0x7f: {  	_ =	shalt  }
0x80: {  	_ =	shalt  }
0x81: {  	_ =	shalt  }
0x82: {  	_ =	shalt  }
0x83: {  	_ =	shalt  }
0x84: {  	_ =	shalt  }
0x85: {  	_ =	shalt  }
0x86: {  	_ =	shalt  }
0x87: {  	_ =	shalt  }
.Lfunc_end0:
.L_simem_size_0:
called_computation_lowered:
.L_overlay_start_0:
0x88: {  	s2 =	sld [smem:$0x3FD9]  }
0x89: {  	s3 =	sld [smem:$0x3FFE];
	_ =	sdelay $0x1  }
0x8a: {  	s1 =	srdreg.scid  }
0x8b: {  	s0 =	sand.u32 $0x1, s1  }
0x8c: {  	s15 =	sshll.u32 s0, $0xA;
	s2 =	sadd.s32 s3, s2  }
0x8d: {  	s2 =	sadd.s32 s2, s15  }
0x8e: {  	[smem:$0x3FC2] =	sst s2  }
0x8f: {  	_ = 	snop  }
0x90: {  	s2 =	sld [smem:$0x3FD0];
	_ =	sdelay $0x2  }
0x91: {  	s4 =	simm.s32 $0xA;
	s5 =	simm.s32 $0x10;
	s16 =	sld [smem:$0x3FC8]  }
0x92: {  	[smem:s5], [sflag:s4] =	dma.local [hbm:s2], $0x1  }
0x93: {  	_ =	swait.eq [sflag:s4], $0x1  }
0x94: {  	[sflag:s4] =	ssyncset.done $0x0  }
0x95: {  	[sflag:s4] =	ssyncadd.s32 $0xFFFFFFFF  }
0x96: {  	s17 =	sld [smem:$0x12];
	(tm) =	ssettm $0x1  }
0x97: {  	s18 =	sld [smem:$0x3FFB];
	_ =	sdelay $0x3  }
0x98: {  	_ =	strace s18  }
0x99: {  	s4 =	sld [smem:$0x3FFC];
	_ =	sdelay $0x3  }
0x9a: {  	_ =	strace s4  }
0x9b: {  	s4 =	sld [smem:$0x3FFD];
	_ =	sdelay $0x3  }
0x9c: {  	_ =	strace s4  }
0x9d: {  	_ =	strace $0x8FFFFFFF  }
0x9e: {  	s19 =	sld [smem:$0x3FDB];
	_ =	sdelay $0x1  }
0x9f: {  	s20 =	simm.s32 $_scs_section_size  }
0xa0: {  	s6 =	simm.s32 $_size__tile_overlayer_lowered;
	s7 =	simm.s32 $_tile_overlayer_lowered  }
0xa1: {  	s23 =	simm.s32 $0x1BFF;
	s22 =	sshll.u32 s7, $0x1;
	s4 =	sadd.s32 s20, s19  }
0xa2: {  	s8 =	simm.s32 $0x0;
	s21 =	sshll.u32 s6, $0x1;
	s6 =	sadd.s32 s22, s4  }
0xa3: {  	[timem:s8], [sflag:s23] =	dma.local [hbm:s6], s21  }
0xa4: {  	_ =	swait.ge [sflag:s23], s21  }
0xa5: {  	s5 =	ssub.s32 $0x0, s21;
	[sflag:s23] =	ssyncset.done $0x0  }
0xa6: {  	[sflag:s23] =	ssyncadd.s32 s5;
	_ =	sdelay $0x1  }
0xa7: {  	s24 =	simm.s32 $0x1B8B  }
0xa8: {  	_ =	swait.ge [sflag:s24], $0x1  }
0xa9: {  	[sflag:s24] =	ssyncset.done $0x0  }
0xaa: {  	s25 =	simm.s32 $0x1B8E;
	[sflag:s24] =	ssyncadd.s32 $0xFFFFFFFF  }
0xab: {  	s26 =	simm.s32 $execute0_lowered;
	[smem:$0x3FD2] =	sst s25  }
0xac: {  	s5 =	sshll.u32 s26, $0x1;
	_ =	strace $0x80000046;
	[dreg:$0x1] =	wrdreg $0xFFFFFFFF  }
0xad: {  	s28 =	simm.s32 $_size_execute0_lowered;
	s4 =	sadd.s32 s4, s5;
	[dreg:$0x0] =	wrdreg $0x0  }
0xae: {  	s5 =	sshll.u32 s28, $0x1;
	[dreg:$0x2] =	wrdreg s4  }
0xaf: {  	[dreg:$0x3] =	wrdreg s5  }
0xb0: {  	[dreg:$0x4] =	wrdreg $0xC0  }
0xb1: {  	_ =	task [dreg:s8], $0x5FFFF  }
0xb2: {  	[dreg:$0x1] =	wrdreg $0xFFFFFFFF  }
0xb3: {  	[dreg:$0x0] =	wrdreg $0x60  }
0xb4: {  	[dreg:$0x2] =	wrdreg s16  }
0xb5: {  	[dreg:$0x3] =	wrdreg s17  }
0xb6: {  	[dreg:$0x4] =	wrdreg $0x9  }
0xb7: {  	_ =	task.clear_ibuf [dreg:s8], $0x5FFFF;
	_ =	strace $0x90000046  }
0xb8: {  	s29 =	simm.s32 $0x9;
	_ =	strace $0x80000048  }
0xb9: {  	_ =	swait.ge [sflag:s29], $0x1  }
0xba: {  	[sflag:s29] =	ssyncadd.s32 $0xFFFFFFFF  }
0xbb: {  	_ =	strace $0x90000048  }
0xbc: {  	_ =	sfence  }
0xbd: {  	s30 =	sld [smem:$0x0];
	_ =	sdelay $0x2  }
0xbe: {  	s31 =	sshll.u32 s1, $0xD;
	s1 =	sshrl.u32 s1, $0x2  }
0xbf: {  	s3 =	sand.u32 $0x4000, s31;
	s1 =	sadd.s32 s1, s30  }
0xc0: {  	s0 =	sor.u32 s3, s0;
	s1 =	sshll.u32 s1, $0x11  }
0xc1: {  	s0 =	sor.u32 s1, s0  }
0xc2: {  	s0 =	sadd.s32 $0x8F2B, s0  }
0xc3: {  	[sflag:s0] =	ssyncadd.remote.s32 $0x1  }
0xc4: {  	_ =	sfence.sel $0xFFFF  }
0xc5: {  	[dreg:$0x0] =	wrdreg $0xFFFFFFFF;
	(pc) =	sbr.abs _section_cstart, $3  }
0xc6: {  	[dreg:$0x1] =	wrdreg $0xFFFFFFFF  }
0xc7: {  	_ =	task.clear_ibuf [dreg:s8], $0x2FFFF;
	_ =	strace $0x9FFFFFFF  }
0xc8: {  	(tm) =	ssettm $0x7FFFFFFF  }
0xc9: {  	_ =	shalt  }
tec
execute0_lowered:
.L_overlay_start_1:
0x0: {  	(tag) =	ssettag $0x1  }
0x1: {  	s2 =	rddreg [dreg:$0x0]  }
0x2: {  	s4 =	rddreg [dreg:$0x1];
	s3 =	srdreg.scid  }
0x3: {  	s0 =	rddreg [dreg:$0x2];
	s1 =	stileid.u32;
	s3 =	sand.u32 $0x1, s3  }
0x4: {  	s6 =	sshll.u32 s1, $0xB;
	s5 =	ssub.s32 $0x2, s3;
	s7 =	sshll.u32 s3, $0xA  }
0x5: {  	s3 =	simm.s32 $0x0;
	s6 =	sor.u32 s7, s6;
	s30 =	sshrl.u32 s5, $0x1  }
0x6: {  	[smem:$0x7FF] =	sst s3;
	s7 =	simm.s32 $0x1;
	s5 =	ssub.s32 s5, s30  }
0x7: {  	s31 =	sshrl.u32 s6, $0x3;
	_ =	strace $0x80000047;
	v0 =	vmov s6;
	s6 =	sadd.s32 $0x400, s6  }
0x8: {  	v2 =	vimm.f32 $0.0e+00;
	v3 =	vimm.f32 $1.000000000e+00;
	s4 =	sadd.s32 s4, s31;
	v1 =	vmov s6;
	s5 =	smax.u32 s5, $0x1;
	s6 =	simm.s32 $0x400  }
.LBB2_1:
0x9: {  	[tilespmem:s6], [sflag:$0x1] =	stream.linear.gather [hbm4b:s2+s3], $0x10, $0x38;
	[tilespmem:$0x480] =	vst v63  }
0xa: {  	_ =	swait.ge [sflag:s7], $0x10  }
0xb: {  	[sflag:s7] =	ssyncset.done $0x0  }
0xc: {  	[sflag:s7] =	ssyncadd.s32 $0xFFFFFFF0  }
0xd: {  	[tilespmem:$0x0] =	vst v2  }
0xe: {  	[tilespmem:$0x10] =	vst v2  }
0xf: {  	[tilespmem:$0x20] =	vst v2  }
0x10: {  	[tilespmem:$0x30] =	vst v2  }
0x11: {  	[tilespmem:$0x40] =	vst v2  }
0x12: {  	[tilespmem:$0x50] =	vst v2  }
0x13: {  	[tilespmem:$0x60] =	vst v2  }
0x14: {  	[tilespmem:$0x70] =	vst v2  }
0x15: {  	[tilespmem:$0x80] =	vst v2  }
0x16: {  	[tilespmem:$0x90] =	vst v2  }
0x17: {  	[tilespmem:$0xA0] =	vst v2  }
0x18: {  	[tilespmem:$0xB0] =	vst v2  }
0x19: {  	[tilespmem:$0xC0] =	vst v2  }
0x1a: {  	[tilespmem:$0xD0] =	vst v2  }
0x1b: {  	[tilespmem:$0xE0] =	vst v2  }
0x1c: {  	[tilespmem:$0xF0] =	vst v2  }
0x1d: {  	[tilespmem:$0x100] =	vst v2  }
0x1e: {  	[tilespmem:$0x110] =	vst v2  }
0x1f: {  	[tilespmem:$0x120] =	vst v2  }
0x20: {  	[tilespmem:$0x130] =	vst v2  }
0x21: {  	[tilespmem:$0x140] =	vst v2  }
0x22: {  	[tilespmem:$0x150] =	vst v2  }
0x23: {  	[tilespmem:$0x160] =	vst v2  }
0x24: {  	[tilespmem:$0x170] =	vst v2  }
0x25: {  	[tilespmem:$0x180] =	vst v2  }
0x26: {  	[tilespmem:$0x190] =	vst v2  }
0x27: {  	[tilespmem:$0x1A0] =	vst v2  }
0x28: {  	[tilespmem:$0x1B0] =	vst v2  }
0x29: {  	[tilespmem:$0x1C0] =	vst v2  }
0x2a: {  	[tilespmem:$0x1D0] =	vst v2  }
0x2b: {  	[tilespmem:$0x1E0] =	vst v2  }
0x2c: {  	[tilespmem:$0x1F0] =	vst v2  }
0x2d: {  	[tilespmem:$0x200] =	vst v2  }
0x2e: {  	[tilespmem:$0x210] =	vst v2  }
0x2f: {  	[tilespmem:$0x220] =	vst v2  }
0x30: {  	[tilespmem:$0x230] =	vst v2  }
0x31: {  	[tilespmem:$0x240] =	vst v2  }
0x32: {  	[tilespmem:$0x250] =	vst v2  }
0x33: {  	[tilespmem:$0x260] =	vst v2  }
0x34: {  	[tilespmem:$0x270] =	vst v2  }
0x35: {  	[tilespmem:$0x280] =	vst v2  }
0x36: {  	[tilespmem:$0x290] =	vst v2  }
0x37: {  	[tilespmem:$0x2A0] =	vst v2  }
0x38: {  	[tilespmem:$0x2B0] =	vst v2  }
0x39: {  	[tilespmem:$0x2C0] =	vst v2  }
0x3a: {  	[tilespmem:$0x2D0] =	vst v2  }
0x3b: {  	[tilespmem:$0x2E0] =	vst v2  }
0x3c: {  	[tilespmem:$0x2F0] =	vst v2  }
0x3d: {  	[tilespmem:$0x300] =	vst v2  }
0x3e: {  	[tilespmem:$0x310] =	vst v2  }
0x3f: {  	[tilespmem:$0x320] =	vst v2  }
0x40: {  	[tilespmem:$0x330] =	vst v2  }
0x41: {  	[tilespmem:$0x340] =	vst v2;
	v4 =	vld [tilespmem:$0x400]  }
0x42: {  	[tilespmem:$0x350] =	vst v2  }
0x43: {  	[tilespmem:$0x360] =	vst v2  }
0x44: {  	[tilespmem:$0x370] =	vst v2  }
0x45: {  	[tilespmem:$0x380] =	vst v2  }
0x46: {  	[tilespmem:$0x390] =	vst v2;
	vm0 =	vge.s32 v4, v0;
	vm1 =	vlt.s32 v4, v1  }
0x47: {  	[tilespmem:$0x3A0] =	vst v2;
	v4 =	vsub.s32 v4, v0;
	vm0 =	vmand vm0, vm1  }
0x48: {  	[tilespmem:$0x3B0] =	vst v2;
	v4 =	vnsel vm0, $0x0, v4  }
0x49: {  	[tilespmem:$0x3C0] =	vst v2  }
0x4a: {  	[tilespmem:$0x3D0] =	vst v2  }
0x4b: {  	[tilespmem:$0x3E0] =	vst v2  }
0x4c: {  	p0 =	sne.s32 s5, $0x1;
	[tilespmem:$0x3F0] =	vst v2  }
.Ltmp0:
0x4d: {  	[tilespmem:v4+s3+$0x0] =	vst.idx.msk vm0, v3;
	(pc) =	sbr.rel @p0 .LBB2_1-.Ltmp0, $4  }
0x4e: {  	[hbm4b:s4+s3] =	stream.linear.scatter [tilespmem:s3], [sflag:$0x1], $0x400, $0x38;
	[tilespmem:$0x480] =	vst v63  }
0x4f: {  	_ =	swait.ge [sflag:s7], $0x400  }
0x50: {  	[sflag:s7] =	ssyncset.done $0x0  }
0x51: {  	s5 =	sadd.s32 $0xFFFFFFFF, s5;
	[sflag:s7] =	ssyncadd.s32 $0xFFFFFC00  }
0x52: {  	_ =	sfence.sel $0x180000  }
0x53: {  	[bflag:$0x0] =	sbarrier.arrive $0xFFFF  }
0x54: {  	p0 =	sne.s32 s1, $0x0;
	_ =	strace $0x90000047  }
0x55: {  	s0 =	sadd.s32 @!p0 $0x100000, s0;
	[bflag:$0x2] =	sbarrier.arrive $0xFFFF  }
0x56: {  	[sflag:s0] =	ssyncadd.tile.s32 @!p0 $0x1;
	_ =	shalt  }
.Lfunc_end2:
_tile_overlayer_lowered:
.L_overlay_start_2:
0x57: {  	(tag) =	ssettag $0x2  }
0x58: {  	s0 =	rddreg [dreg:$0x0];
	s2 =	stileid.u32  }
0x59: {  	s1 =	rddreg [dreg:$0x1];
	p0 =	sne.s32 s2, $0x0  }
0x5a: {  	s3 =	rddreg [dreg:$0x2];
	[bflag:$0x3] =	sbarrier.arrive $0xFFFF;
	s2 =	simm.s32 @!p0 $0x1C01  }
0x5b: {  	[timem:s3], [sflag:s2] =	dma.local @!p0 [hbm:s0], s1  }
0x5c: {  	s0 =	simm.s32 @!p0 $0x1  }
0x5d: {  	_ =	swait.ge @!p0 [sflag:s0], s1  }
0x5e: {  	s1 =	ssub.s32 @!p0 $0x0, s1;
	[sflag:s0] =	ssyncset.done @!p0 $0x0  }
0x5f: {  	[sflag:s0] =	ssyncadd.s32 @!p0 s1  }
0x60: {  	[bflag:$0x3] =	sbarrier.arrive $0xFFFF  }
0x61: {  	_ =	shalt  }

</sc_bundles>
